<compile_context>
chip_gen: v7x
topology: tpu7x:2x2x1
jax: 0.10.2.dev20260603
libtpu: 0.0.44.dev20260713+nightly
codegen_flags: <defaults>
</compile_context>

<pallas_src>
import functools

import jax
import jax.numpy as jnp
from jax import lax
from jax.experimental import pallas as pl
from jax.experimental.pallas import tpu as pltpu
from jax.experimental.pallas import tpu_sc as plsc

_BATCH = 16384
_STATE_DIM = 32
_CITY_DIM = 64
_NUM_STATES = 1000
_NUM_CITIES = 100000
_CHK = 8192


def _sc_gather_t(state_id, city_id, stab_t, ctab_t):
    info = plsc.get_sparse_core_info()
    mesh = plsc.VectorSubcoreMesh(core_axis_name="c", subcore_axis_name="s")
    n_chunks = _BATCH // _CHK

    @functools.partial(
        pl.kernel,
        mesh=mesh,
        compiler_params=pltpu.CompilerParams(needs_layout_passes=False),
        out_type=[
            jax.ShapeDtypeStruct((_STATE_DIM, _BATCH), jnp.float32),
            jax.ShapeDtypeStruct((_CITY_DIM, _BATCH), jnp.float32),
        ],
        scratch_types=[
            pltpu.VMEM((_NUM_CITIES,), jnp.float32),
            pltpu.VMEM((_NUM_STATES,), jnp.float32),
            pltpu.VMEM((_BATCH,), jnp.int32),
            pltpu.VMEM((_CHK,), jnp.float32),
            pltpu.VMEM_SHARED((2, _BATCH), jnp.int32),
            pltpu.SemaphoreType.DMA,
        ],
    )
    def gather_k(sid_hbm, cid_hbm, stabt_hbm, ctabt_hbm, s_out, c_out,
                 row_v, srow_v, idx_v, out_v, ids_sh, sem):
        sub = lax.axis_index("s")
        wid = sub * info.num_cores + lax.axis_index("c")
        cp0 = pltpu.async_copy(ctabt_hbm.at[2 * wid], row_v, sem)
        pltpu.sync_copy(stabt_hbm.at[wid], srow_v)
        @pl.when(sub == 0)
        def _():
            pltpu.sync_copy(sid_hbm, ids_sh.at[0])
            pltpu.sync_copy(cid_hbm, ids_sh.at[1])
        plsc.subcore_barrier()

        pltpu.sync_copy(ids_sh.at[0], idx_v)

        def gather_chunk(table_ref, k):
            @plsc.parallel_loop(0, _CHK, step=16, unroll=16)
            def _(i):
                iv = idx_v[pl.ds(k * _CHK + i, 16)]
                out_v[pl.ds(i, 16)] = plsc.load_gather(table_ref, [iv])

        def state_chunk(k, carry):
            gather_chunk(srow_v, k)
            pltpu.sync_copy(out_v, s_out.at[wid, pl.ds(k * _CHK, _CHK)])
            return carry

        lax.fori_loop(0, n_chunks, state_chunk, 0)
        pltpu.sync_copy(ids_sh.at[1], idx_v)
        cp0.wait()

        def city_row(r, carry):
            @pl.when(r > 0)
            def _():
                pltpu.sync_copy(ctabt_hbm.at[2 * wid + r], row_v)

            def city_chunk(k, c2):
                gather_chunk(row_v, k)
                pltpu.sync_copy(out_v, c_out.at[2 * wid + r, pl.ds(k * _CHK, _CHK)])
                return c2

            lax.fori_loop(0, n_chunks, city_chunk, 0)
            return carry

        lax.fori_loop(0, 2, city_row, 0)

    return gather_k(state_id, city_id, stab_t, ctab_t)


def _tc_body(s_ref, c_ref, wt_ref, bgb_ref, o_ref):
    ws_t = wt_ref[:, :_STATE_DIM]
    wc_t = wt_ref[:, _STATE_DIM:]
    f = (jnp.dot(ws_t, s_ref[...], preferred_element_type=jnp.float32)
         + jnp.dot(wc_t, c_ref[...], preferred_element_type=jnp.float32)
         + bgb_ref[:, 0:1])
    mean = jnp.mean(f, axis=0, keepdims=True)
    var = jnp.mean((f - mean) * (f - mean), axis=0, keepdims=True)
    o_ref[...] = ((f - mean) * lax.rsqrt(var + 1e-5) * bgb_ref[:, 1:2]
                  + bgb_ref[:, 2:3])


def _tc_fuse(s_emb_t, c_emb_t, W, b, gamma, beta):
    blk = 8192
    bgb = jnp.stack([b, gamma, beta], axis=1)
    w_t = W.T
    out_t = pl.pallas_call(
        _tc_body,
        grid=(_BATCH // blk,),
        in_specs=[
            pl.BlockSpec((_STATE_DIM, blk), lambda i: (0, i)),
            pl.BlockSpec((_CITY_DIM, blk), lambda i: (0, i)),
            pl.BlockSpec((_CITY_DIM, _STATE_DIM + _CITY_DIM), lambda i: (0, 0)),
            pl.BlockSpec((_CITY_DIM, 3), lambda i: (0, 0)),
        ],
        out_specs=pl.BlockSpec((_CITY_DIM, blk), lambda i: (0, i)),
        out_shape=jax.ShapeDtypeStruct((_CITY_DIM, _BATCH), jnp.float32),
    )(s_emb_t, c_emb_t, w_t, bgb)
    return out_t.T


def kernel(state_id, city_id, state_table, city_table, W, b, gamma, beta):
    sid = state_id.astype(jnp.int32)
    cid = city_id.astype(jnp.int32)
    s_emb_t, c_emb_t = _sc_gather_t(sid, cid, state_table.T, city_table.T)
    return _tc_fuse(s_emb_t, c_emb_t, W, b, gamma, beta)

# --- scband reference (transcript-rebuilt; emitter-appended) ---
"""Pipeline reference for scband-geo-encoder-45174466020055 (READ-ONLY COPY).

The authoritative reference and input builder live on the scoring server;
editing this copy changes nothing except your own understanding.
"""

import jax, jax.numpy as jnp
import numpy as np

NUM_STATES = 1000
NUM_CITIES = 100000
STATE_DIM = 32
CITY_DIM = 64
BATCH = 16384


def setup_inputs(seed: int = 0) -> dict:
    key = jax.random.key(seed)
    k1, k2, k3, k4, k5 = jax.random.split(key, 5)
    state_id = jax.random.randint(k1, (BATCH,), 0, NUM_STATES, dtype=jnp.int64 if jax.config.jax_enable_x64 else jnp.int32)
    city_id = jax.random.randint(k2, (BATCH,), 0, NUM_CITIES, dtype=jnp.int64 if jax.config.jax_enable_x64 else jnp.int32)
    # embedding tables (xavier-uniform-ish init; row 0 is PAD)
    state_table = jax.random.uniform(k3, (NUM_STATES, STATE_DIM), minval=-0.08, maxval=0.08, dtype=jnp.float32)
    state_table = state_table.at[0].set(0.0)
    city_table = jax.random.uniform(k4, (NUM_CITIES, CITY_DIM), minval=-0.05, maxval=0.05, dtype=jnp.float32)
    city_table = city_table.at[0].set(0.0)
    # fusion linear: (state_dim + city_dim) -> city_dim
    W = jax.random.uniform(k5, (STATE_DIM + CITY_DIM, CITY_DIM), minval=-0.1, maxval=0.1, dtype=jnp.float32)
    b = jnp.zeros((CITY_DIM,), dtype=jnp.float32)
    gamma = jnp.ones((CITY_DIM,), dtype=jnp.float32)
    beta = jnp.zeros((CITY_DIM,), dtype=jnp.float32)
    return {"state_id": state_id, "city_id": city_id, "state_table": state_table,
            "city_table": city_table, "W": W, "b": b, "gamma": gamma, "beta": beta}


def _layer_norm(x, gamma, beta, eps=1e-5):
    mean = jnp.mean(x, axis=-1, keepdims=True)
    var = jnp.var(x, axis=-1, keepdims=True)
    return (x - mean) / jnp.sqrt(var + eps) * gamma + beta


def reference(state_id, city_id, state_table, city_table, W, b, gamma, beta):
    s_emb = jnp.take(state_table, state_id, axis=0)   # [B, state_dim]
    c_emb = jnp.take(city_table, city_id, axis=0)     # [B, city_dim]
    combined = jnp.concatenate([s_emb, c_emb], axis=-1)  # [B, state_dim+city_dim]
    fused = combined @ W + b                           # [B, city_dim]
    return _layer_norm(fused, gamma, beta)

if __name__ == "__main__":
    import jax
    _d = setup_inputs()
    print(jax.jit(kernel)(*tuple(_d.values())))

</pallas_src>

<mosaic_0001>
#map = affine_map<(d0, d1) -> (0)>
#map1 = affine_map<(d0, d1) -> (0, 0)>
module attributes {stable_mosaic.version = 14 : i64} {
  func.func @gather_k(%arg0: i32, %arg1: i32, %arg2: memref<16384xi32, #tpu.memory_space<hbm>>, %arg3: memref<16384xi32, #tpu.memory_space<hbm>>, %arg4: memref<32x1000xf32, #tpu.memory_space<hbm>>, %arg5: memref<64x100000xf32, #tpu.memory_space<hbm>>, %arg6: memref<32x16384xf32, #tpu.memory_space<hbm>>, %arg7: memref<64x16384xf32, #tpu.memory_space<hbm>>, %arg8: memref<100000xf32, #tpu.memory_space<vmem>>, %arg9: memref<1000xf32, #tpu.memory_space<vmem>>, %arg10: memref<16384xi32, #tpu.memory_space<vmem>>, %arg11: memref<8192xf32, #tpu.memory_space<vmem>>, %arg12: memref<2x16384xi32, #tpu.memory_space<vmem_shared>>, %arg13: memref<!tpu.dma_semaphore, #tpu.memory_space<semaphore_mem>>) attributes {dimension_semantics = [#tpu.dimension_semantics<core_parallel>, #tpu.dimension_semantics<subcore_parallel>], iteration_bounds = array<i64: 2, 16>, scalar_prefetch = 0 : i64, scratch_operands = 6 : i64, tpu.core_type = #tpu.core_type<sc_vector_subcore>, window_params = [{transform_indices = #map}, {transform_indices = #map}, {transform_indices = #map1}, {transform_indices = #map1}, {transform_indices = #map1}, {transform_indices = #map1}]} {
    %mul3A = arith.constant 2 : i32
    %mul3A_0 = arith.muli %arg1, %mul3A : i32
    %add3A = arith.addi %mul3A_0, %arg0 : i32
    %mul3A_1 = arith.constant 2 : i32
    %mul3A_2 = arith.muli %mul3A_1, %add3A : i32
    %dma_start3A = arith.constant 0 : i32
    %dma_start3A_3 = tpu.memref_slice %arg5[%mul3A_2, %dma_start3A] : memref<64x100000xf32, #tpu.memory_space<hbm>> -> memref<1x100000xf32, #tpu.memory_space<hbm>>
    %dma_start3A_4 = tpu.memref_squeeze %dma_start3A_3 : memref<1x100000xf32, #tpu.memory_space<hbm>> -> memref<100000xf32, #tpu.memory_space<hbm>>
    %dma_start3A_5 = arith.constant 0 : i32
    %dma_start3A_6 = tpu.memref_slice %arg5[%mul3A_2, %dma_start3A_5] : memref<64x100000xf32, #tpu.memory_space<hbm>> -> memref<1x100000xf32, #tpu.memory_space<hbm>>
    %dma_start3A_7 = tpu.memref_squeeze %dma_start3A_6 : memref<1x100000xf32, #tpu.memory_space<hbm>> -> memref<100000xf32, #tpu.memory_space<hbm>>
    tpu.enqueue_dma source(%dma_start3A_7 : memref<100000xf32, #tpu.memory_space<hbm>>) target(%arg8 : memref<100000xf32, #tpu.memory_space<vmem>>) target_semaphore(%arg13 : memref<!tpu.dma_semaphore, #tpu.memory_space<semaphore_mem>>)
    "tpu.region"() ({
      %run_scoped3A_27 = tpu.sem_alloc : memref<!tpu.dma_semaphore, #tpu.memory_space<semaphore_mem>>
      %dma_start3A_28 = arith.constant 0 : i32
      %dma_start3A_29 = tpu.memref_slice %arg4[%add3A, %dma_start3A_28] : memref<32x1000xf32, #tpu.memory_space<hbm>> -> memref<1x1000xf32, #tpu.memory_space<hbm>>
      %dma_start3A_30 = tpu.memref_squeeze %dma_start3A_29 : memref<1x1000xf32, #tpu.memory_space<hbm>> -> memref<1000xf32, #tpu.memory_space<hbm>>
      %dma_start3A_31 = arith.constant 0 : i32
      %dma_start3A_32 = tpu.memref_slice %arg4[%add3A, %dma_start3A_31] : memref<32x1000xf32, #tpu.memory_space<hbm>> -> memref<1x1000xf32, #tpu.memory_space<hbm>>
      %dma_start3A_33 = tpu.memref_squeeze %dma_start3A_32 : memref<1x1000xf32, #tpu.memory_space<hbm>> -> memref<1000xf32, #tpu.memory_space<hbm>>
      tpu.enqueue_dma source(%dma_start3A_33 : memref<1000xf32, #tpu.memory_space<hbm>>) target(%arg9 : memref<1000xf32, #tpu.memory_space<vmem>>) target_semaphore(%run_scoped3A_27 : memref<!tpu.dma_semaphore, #tpu.memory_space<semaphore_mem>>)
      %dma_wait3A_34 = arith.constant 0 : i32
      %dma_wait3A_35 = tpu.memref_slice %arg4[%add3A, %dma_wait3A_34] : memref<32x1000xf32, #tpu.memory_space<hbm>> -> memref<1x1000xf32, #tpu.memory_space<hbm>>
      %dma_wait3A_36 = tpu.memref_squeeze %dma_wait3A_35 : memref<1x1000xf32, #tpu.memory_space<hbm>> -> memref<1000xf32, #tpu.memory_space<hbm>>
      %dma_wait3A_37 = arith.constant 0 : i32
      %dma_wait3A_38 = tpu.memref_slice %arg4[%add3A, %dma_wait3A_37] : memref<32x1000xf32, #tpu.memory_space<hbm>> -> memref<1x1000xf32, #tpu.memory_space<hbm>>
      %dma_wait3A_39 = tpu.memref_squeeze %dma_wait3A_38 : memref<1x1000xf32, #tpu.memory_space<hbm>> -> memref<1000xf32, #tpu.memory_space<hbm>>
      tpu.wait_dma2 semaphore(%run_scoped3A_27 : memref<!tpu.dma_semaphore, #tpu.memory_space<semaphore_mem>>) src(%dma_wait3A_39 : memref<1000xf32, #tpu.memory_space<hbm>>) dst(%arg9 : memref<1000xf32, #tpu.memory_space<vmem>>)
      tpu.yield
    }) : () -> ()
    %eq3A = arith.constant 0 : i32
    %eq3A_8 = arith.cmpi eq, %arg1, %eq3A : i32
    %convert_element_type3A = arith.extui %eq3A_8 : i1 to i32
    %cond3A = arith.constant 0 : i32
    %cond3A_9 = arith.cmpi ne, %convert_element_type3A, %cond3A : i32
    scf.if %cond3A_9 {
      %run_scoped3A_27 = arith.constant 0 : i32
      "tpu.region"() ({
        %run_scoped3A_29 = tpu.sem_alloc : memref<!tpu.dma_semaphore, #tpu.memory_space<semaphore_mem>>
        %dma_start3A_30 = arith.constant 0 : i32
        %dma_start3A_31 = tpu.memref_slice %arg12[%run_scoped3A_27, %dma_start3A_30] : memref<2x16384xi32, #tpu.memory_space<vmem_shared>> -> memref<1x16384xi32, #tpu.memory_space<vmem_shared>>
        %dma_start3A_32 = tpu.memref_squeeze %dma_start3A_31 : memref<1x16384xi32, #tpu.memory_space<vmem_shared>> -> memref<16384xi32, #tpu.memory_space<vmem_shared>>
        tpu.enqueue_dma source(%arg2 : memref<16384xi32, #tpu.memory_space<hbm>>) target(%dma_start3A_32 : memref<16384xi32, #tpu.memory_space<vmem_shared>>) target_semaphore(%run_scoped3A_29 : memref<!tpu.dma_semaphore, #tpu.memory_space<semaphore_mem>>)
        %dma_wait3A_33 = arith.constant 0 : i32
        %dma_wait3A_34 = tpu.memref_slice %arg12[%run_scoped3A_27, %dma_wait3A_33] : memref<2x16384xi32, #tpu.memory_space<vmem_shared>> -> memref<1x16384xi32, #tpu.memory_space<vmem_shared>>
        %dma_wait3A_35 = tpu.memref_squeeze %dma_wait3A_34 : memref<1x16384xi32, #tpu.memory_space<vmem_shared>> -> memref<16384xi32, #tpu.memory_space<vmem_shared>>
        tpu.wait_dma2 semaphore(%run_scoped3A_29 : memref<!tpu.dma_semaphore, #tpu.memory_space<semaphore_mem>>) src(%arg2 : memref<16384xi32, #tpu.memory_space<hbm>>) dst(%dma_wait3A_35 : memref<16384xi32, #tpu.memory_space<vmem_shared>>)
        tpu.yield
      }) : () -> ()
      %run_scoped3A_28 = arith.constant 1 : i32
      "tpu.region"() ({
        %run_scoped3A_29 = tpu.sem_alloc : memref<!tpu.dma_semaphore, #tpu.memory_space<semaphore_mem>>
        %dma_start3A_30 = arith.constant 0 : i32
        %dma_start3A_31 = tpu.memref_slice %arg12[%run_scoped3A_28, %dma_start3A_30] : memref<2x16384xi32, #tpu.memory_space<vmem_shared>> -> memref<1x16384xi32, #tpu.memory_space<vmem_shared>>
        %dma_start3A_32 = tpu.memref_squeeze %dma_start3A_31 : memref<1x16384xi32, #tpu.memory_space<vmem_shared>> -> memref<16384xi32, #tpu.memory_space<vmem_shared>>
        tpu.enqueue_dma source(%arg3 : memref<16384xi32, #tpu.memory_space<hbm>>) target(%dma_start3A_32 : memref<16384xi32, #tpu.memory_space<vmem_shared>>) target_semaphore(%run_scoped3A_29 : memref<!tpu.dma_semaphore, #tpu.memory_space<semaphore_mem>>)
        %dma_wait3A_33 = arith.constant 0 : i32
        %dma_wait3A_34 = tpu.memref_slice %arg12[%run_scoped3A_28, %dma_wait3A_33] : memref<2x16384xi32, #tpu.memory_space<vmem_shared>> -> memref<1x16384xi32, #tpu.memory_space<vmem_shared>>
        %dma_wait3A_35 = tpu.memref_squeeze %dma_wait3A_34 : memref<1x16384xi32, #tpu.memory_space<vmem_shared>> -> memref<16384xi32, #tpu.memory_space<vmem_shared>>
        tpu.wait_dma2 semaphore(%run_scoped3A_29 : memref<!tpu.dma_semaphore, #tpu.memory_space<semaphore_mem>>) src(%arg3 : memref<16384xi32, #tpu.memory_space<hbm>>) dst(%dma_wait3A_35 : memref<16384xi32, #tpu.memory_space<vmem_shared>>)
        tpu.yield
      }) : () -> ()
    } else {
    }
    %barrier3A = arith.constant 0 : index
    tpu.barrier barrier_id(%barrier3A)
    %run_scoped3A = arith.constant 0 : i32
    "tpu.region"() ({
      %run_scoped3A_27 = tpu.sem_alloc : memref<!tpu.dma_semaphore, #tpu.memory_space<semaphore_mem>>
      %dma_start3A_28 = arith.constant 0 : i32
      %dma_start3A_29 = tpu.memref_slice %arg12[%run_scoped3A, %dma_start3A_28] : memref<2x16384xi32, #tpu.memory_space<vmem_shared>> -> memref<1x16384xi32, #tpu.memory_space<vmem_shared>>
      %dma_start3A_30 = tpu.memref_squeeze %dma_start3A_29 : memref<1x16384xi32, #tpu.memory_space<vmem_shared>> -> memref<16384xi32, #tpu.memory_space<vmem_shared>>
      %dma_start3A_31 = arith.constant 0 : i32
      %dma_start3A_32 = tpu.memref_slice %arg12[%run_scoped3A, %dma_start3A_31] : memref<2x16384xi32, #tpu.memory_space<vmem_shared>> -> memref<1x16384xi32, #tpu.memory_space<vmem_shared>>
      %dma_start3A_33 = tpu.memref_squeeze %dma_start3A_32 : memref<1x16384xi32, #tpu.memory_space<vmem_shared>> -> memref<16384xi32, #tpu.memory_space<vmem_shared>>
      tpu.enqueue_dma source(%dma_start3A_33 : memref<16384xi32, #tpu.memory_space<vmem_shared>>) target(%arg10 : memref<16384xi32, #tpu.memory_space<vmem>>) target_semaphore(%run_scoped3A_27 : memref<!tpu.dma_semaphore, #tpu.memory_space<semaphore_mem>>)
      %dma_wait3A_34 = arith.constant 0 : i32
      %dma_wait3A_35 = tpu.memref_slice %arg12[%run_scoped3A, %dma_wait3A_34] : memref<2x16384xi32, #tpu.memory_space<vmem_shared>> -> memref<1x16384xi32, #tpu.memory_space<vmem_shared>>
      %dma_wait3A_36 = tpu.memref_squeeze %dma_wait3A_35 : memref<1x16384xi32, #tpu.memory_space<vmem_shared>> -> memref<16384xi32, #tpu.memory_space<vmem_shared>>
      %dma_wait3A_37 = arith.constant 0 : i32
      %dma_wait3A_38 = tpu.memref_slice %arg12[%run_scoped3A, %dma_wait3A_37] : memref<2x16384xi32, #tpu.memory_space<vmem_shared>> -> memref<1x16384xi32, #tpu.memory_space<vmem_shared>>
      %dma_wait3A_39 = tpu.memref_squeeze %dma_wait3A_38 : memref<1x16384xi32, #tpu.memory_space<vmem_shared>> -> memref<16384xi32, #tpu.memory_space<vmem_shared>>
      tpu.wait_dma2 semaphore(%run_scoped3A_27 : memref<!tpu.dma_semaphore, #tpu.memory_space<semaphore_mem>>) src(%dma_wait3A_39 : memref<16384xi32, #tpu.memory_space<vmem_shared>>) dst(%arg10 : memref<16384xi32, #tpu.memory_space<vmem>>)
      tpu.yield
    }) : () -> ()
    %scan3A = arith.constant 0 : i32
    %scan3A_10 = arith.constant 0 : i32
    %scan3A_11 = arith.constant 2 : i32
    %scan3A_12 = arith.addi %scan3A_10, %scan3A_11 : i32
    %scan3A_13 = arith.constant 1 : i32
    scf.for %scan3A_27 = %scan3A_10 to %scan3A_12 step %scan3A_13  : i32 {
      %parallel_loop3A = arith.constant 0 : i32
      %parallel_loop3A_28 = arith.constant 8192 : i32
      %parallel_loop3A_29 = arith.constant 16 : i32
      scf.for %parallel_loop3A_32 = %parallel_loop3A to %parallel_loop3A_28 step %parallel_loop3A_29  : i32 {
        %parallel_loop3A_33 = arith.constant 8192 : i32
        %parallel_loop3A_34 = arith.muli %scan3A_27, %parallel_loop3A_33 : i32
        %parallel_loop3A_35 = arith.addi %parallel_loop3A_34, %parallel_loop3A_32 : i32
        %parallel_loop3A_36 = arith.index_cast %parallel_loop3A_35 : i32 to index
        %parallel_loop3A_37 = tpu.vector_load %arg10[%parallel_loop3A_36] {strides = array<i32>} : memref<16384xi32, #tpu.memory_space<vmem>>, vector<16xi32>,
        %parallel_loop3A_38 = tpu.vector_load_idx %arg9[%parallel_loop3A_37] : memref<1000xf32, #tpu.memory_space<vmem>>[vector<16xi32>], vector<16xf32>,
        %parallel_loop3A_39 = arith.index_cast %parallel_loop3A_32 : i32 to index
        %parallel_loop3A_40 = tpu.vector_load %arg11[%parallel_loop3A_39] {strides = array<i32>} : memref<8192xf32, #tpu.memory_space<vmem>>, vector<16xf32>,
        tpu.vector_store %arg11[%parallel_loop3A_39], %parallel_loop3A_38 {strides = array<i32>} : memref<8192xf32, #tpu.memory_space<vmem>>, vector<16xf32>,
      } {sc.loop_unroll_factor = 16 : i64, sc.parallel_access}
      %mul3A_30 = arith.constant 8192 : i32
      %mul3A_31 = arith.muli %scan3A_27, %mul3A_30 : i32
      "tpu.region"() ({
        %run_scoped3A_32 = tpu.sem_alloc : memref<!tpu.dma_semaphore, #tpu.memory_space<semaphore_mem>>
        %dma_start3A_33 = tpu.memref_slice %arg6[%add3A, %mul3A_31] : memref<32x16384xf32, #tpu.memory_space<hbm>> -> memref<1x8192xf32, #tpu.memory_space<hbm>>
        %dma_start3A_34 = tpu.memref_squeeze %dma_start3A_33 : memref<1x8192xf32, #tpu.memory_space<hbm>> -> memref<8192xf32, #tpu.memory_space<hbm>>
        %dma_start3A_35 = tpu.memref_slice %arg6[%add3A, %mul3A_31] : memref<32x16384xf32, #tpu.memory_space<hbm>> -> memref<1x8192xf32, #tpu.memory_space<hbm>>
        %dma_start3A_36 = tpu.memref_squeeze %dma_start3A_35 : memref<1x8192xf32, #tpu.memory_space<hbm>> -> memref<8192xf32, #tpu.memory_space<hbm>>
        tpu.enqueue_dma source(%arg11 : memref<8192xf32, #tpu.memory_space<vmem>>) target(%dma_start3A_36 : memref<8192xf32, #tpu.memory_space<hbm>>) target_semaphore(%run_scoped3A_32 : memref<!tpu.dma_semaphore, #tpu.memory_space<semaphore_mem>>)
        %dma_wait3A_37 = tpu.memref_slice %arg6[%add3A, %mul3A_31] : memref<32x16384xf32, #tpu.memory_space<hbm>> -> memref<1x8192xf32, #tpu.memory_space<hbm>>
        %dma_wait3A_38 = tpu.memref_squeeze %dma_wait3A_37 : memref<1x8192xf32, #tpu.memory_space<hbm>> -> memref<8192xf32, #tpu.memory_space<hbm>>
        %dma_wait3A_39 = tpu.memref_slice %arg6[%add3A, %mul3A_31] : memref<32x16384xf32, #tpu.memory_space<hbm>> -> memref<1x8192xf32, #tpu.memory_space<hbm>>
        %dma_wait3A_40 = tpu.memref_squeeze %dma_wait3A_39 : memref<1x8192xf32, #tpu.memory_space<hbm>> -> memref<8192xf32, #tpu.memory_space<hbm>>
        tpu.wait_dma2 semaphore(%run_scoped3A_32 : memref<!tpu.dma_semaphore, #tpu.memory_space<semaphore_mem>>) src(%arg11 : memref<8192xf32, #tpu.memory_space<vmem>>) dst(%dma_wait3A_40 : memref<8192xf32, #tpu.memory_space<hbm>>)
        tpu.yield
      }) : () -> ()
    }
    %scan3A_14 = arith.constant 2 : i32
    %run_scoped3A_15 = arith.constant 1 : i32
    "tpu.region"() ({
      %run_scoped3A_27 = tpu.sem_alloc : memref<!tpu.dma_semaphore, #tpu.memory_space<semaphore_mem>>
      %dma_start3A_28 = arith.constant 0 : i32
      %dma_start3A_29 = tpu.memref_slice %arg12[%run_scoped3A_15, %dma_start3A_28] : memref<2x16384xi32, #tpu.memory_space<vmem_shared>> -> memref<1x16384xi32, #tpu.memory_space<vmem_shared>>
      %dma_start3A_30 = tpu.memref_squeeze %dma_start3A_29 : memref<1x16384xi32, #tpu.memory_space<vmem_shared>> -> memref<16384xi32, #tpu.memory_space<vmem_shared>>
      %dma_start3A_31 = arith.constant 0 : i32
      %dma_start3A_32 = tpu.memref_slice %arg12[%run_scoped3A_15, %dma_start3A_31] : memref<2x16384xi32, #tpu.memory_space<vmem_shared>> -> memref<1x16384xi32, #tpu.memory_space<vmem_shared>>
      %dma_start3A_33 = tpu.memref_squeeze %dma_start3A_32 : memref<1x16384xi32, #tpu.memory_space<vmem_shared>> -> memref<16384xi32, #tpu.memory_space<vmem_shared>>
      tpu.enqueue_dma source(%dma_start3A_33 : memref<16384xi32, #tpu.memory_space<vmem_shared>>) target(%arg10 : memref<16384xi32, #tpu.memory_space<vmem>>) target_semaphore(%run_scoped3A_27 : memref<!tpu.dma_semaphore, #tpu.memory_space<semaphore_mem>>)
      %dma_wait3A_34 = arith.constant 0 : i32
      %dma_wait3A_35 = tpu.memref_slice %arg12[%run_scoped3A_15, %dma_wait3A_34] : memref<2x16384xi32, #tpu.memory_space<vmem_shared>> -> memref<1x16384xi32, #tpu.memory_space<vmem_shared>>
      %dma_wait3A_36 = tpu.memref_squeeze %dma_wait3A_35 : memref<1x16384xi32, #tpu.memory_space<vmem_shared>> -> memref<16384xi32, #tpu.memory_space<vmem_shared>>
      %dma_wait3A_37 = arith.constant 0 : i32
      %dma_wait3A_38 = tpu.memref_slice %arg12[%run_scoped3A_15, %dma_wait3A_37] : memref<2x16384xi32, #tpu.memory_space<vmem_shared>> -> memref<1x16384xi32, #tpu.memory_space<vmem_shared>>
      %dma_wait3A_39 = tpu.memref_squeeze %dma_wait3A_38 : memref<1x16384xi32, #tpu.memory_space<vmem_shared>> -> memref<16384xi32, #tpu.memory_space<vmem_shared>>
      tpu.wait_dma2 semaphore(%run_scoped3A_27 : memref<!tpu.dma_semaphore, #tpu.memory_space<semaphore_mem>>) src(%dma_wait3A_39 : memref<16384xi32, #tpu.memory_space<vmem_shared>>) dst(%arg10 : memref<16384xi32, #tpu.memory_space<vmem>>)
      tpu.yield
    }) : () -> ()
    %dma_wait3A = arith.constant 0 : i32
    %dma_wait3A_16 = tpu.memref_slice %arg5[%mul3A_2, %dma_wait3A] : memref<64x100000xf32, #tpu.memory_space<hbm>> -> memref<1x100000xf32, #tpu.memory_space<hbm>>
    %dma_wait3A_17 = tpu.memref_squeeze %dma_wait3A_16 : memref<1x100000xf32, #tpu.memory_space<hbm>> -> memref<100000xf32, #tpu.memory_space<hbm>>
    %dma_wait3A_18 = arith.constant 0 : i32
    %dma_wait3A_19 = tpu.memref_slice %arg5[%mul3A_2, %dma_wait3A_18] : memref<64x100000xf32, #tpu.memory_space<hbm>> -> memref<1x100000xf32, #tpu.memory_space<hbm>>
    %dma_wait3A_20 = tpu.memref_squeeze %dma_wait3A_19 : memref<1x100000xf32, #tpu.memory_space<hbm>> -> memref<100000xf32, #tpu.memory_space<hbm>>
    tpu.wait_dma2 semaphore(%arg13 : memref<!tpu.dma_semaphore, #tpu.memory_space<semaphore_mem>>) src(%dma_wait3A_20 : memref<100000xf32, #tpu.memory_space<hbm>>) dst(%arg8 : memref<100000xf32, #tpu.memory_space<vmem>>)
    %scan3A_21 = arith.constant 0 : i32
    %scan3A_22 = arith.constant 0 : i32
    %scan3A_23 = arith.constant 2 : i32
    %scan3A_24 = arith.addi %scan3A_22, %scan3A_23 : i32
    %scan3A_25 = arith.constant 1 : i32
    scf.for %scan3A_27 = %scan3A_22 to %scan3A_24 step %scan3A_25  : i32 {
      %gt3A = arith.constant 0 : i32
      %gt3A_28 = arith.cmpi sgt, %scan3A_27, %gt3A : i32
      %convert_element_type3A_29 = arith.extui %gt3A_28 : i1 to i32
      %cond3A_30 = arith.constant 0 : i32
      %cond3A_31 = arith.cmpi ne, %convert_element_type3A_29, %cond3A_30 : i32
      scf.if %cond3A_31 {
        %mul3A_38 = arith.constant 2 : i32
        %mul3A_39 = arith.muli %mul3A_38, %add3A : i32
        %add3A_40 = arith.addi %mul3A_39, %scan3A_27 : i32
        "tpu.region"() ({
          %run_scoped3A_41 = tpu.sem_alloc : memref<!tpu.dma_semaphore, #tpu.memory_space<semaphore_mem>>
          %dma_start3A_42 = arith.constant 0 : i32
          %dma_start3A_43 = tpu.memref_slice %arg5[%add3A_40, %dma_start3A_42] : memref<64x100000xf32, #tpu.memory_space<hbm>> -> memref<1x100000xf32, #tpu.memory_space<hbm>>
          %dma_start3A_44 = tpu.memref_squeeze %dma_start3A_43 : memref<1x100000xf32, #tpu.memory_space<hbm>> -> memref<100000xf32, #tpu.memory_space<hbm>>
          %dma_start3A_45 = arith.constant 0 : i32
          %dma_start3A_46 = tpu.memref_slice %arg5[%add3A_40, %dma_start3A_45] : memref<64x100000xf32, #tpu.memory_space<hbm>> -> memref<1x100000xf32, #tpu.memory_space<hbm>>
          %dma_start3A_47 = tpu.memref_squeeze %dma_start3A_46 : memref<1x100000xf32, #tpu.memory_space<hbm>> -> memref<100000xf32, #tpu.memory_space<hbm>>
          tpu.enqueue_dma source(%dma_start3A_47 : memref<100000xf32, #tpu.memory_space<hbm>>) target(%arg8 : memref<100000xf32, #tpu.memory_space<vmem>>) target_semaphore(%run_scoped3A_41 : memref<!tpu.dma_semaphore, #tpu.memory_space<semaphore_mem>>)
          %dma_wait3A_48 = arith.constant 0 : i32
          %dma_wait3A_49 = tpu.memref_slice %arg5[%add3A_40, %dma_wait3A_48] : memref<64x100000xf32, #tpu.memory_space<hbm>> -> memref<1x100000xf32, #tpu.memory_space<hbm>>
          %dma_wait3A_50 = tpu.memref_squeeze %dma_wait3A_49 : memref<1x100000xf32, #tpu.memory_space<hbm>> -> memref<100000xf32, #tpu.memory_space<hbm>>
          %dma_wait3A_51 = arith.constant 0 : i32
          %dma_wait3A_52 = tpu.memref_slice %arg5[%add3A_40, %dma_wait3A_51] : memref<64x100000xf32, #tpu.memory_space<hbm>> -> memref<1x100000xf32, #tpu.memory_space<hbm>>
          %dma_wait3A_53 = tpu.memref_squeeze %dma_wait3A_52 : memref<1x100000xf32, #tpu.memory_space<hbm>> -> memref<100000xf32, #tpu.memory_space<hbm>>
          tpu.wait_dma2 semaphore(%run_scoped3A_41 : memref<!tpu.dma_semaphore, #tpu.memory_space<semaphore_mem>>) src(%dma_wait3A_53 : memref<100000xf32, #tpu.memory_space<hbm>>) dst(%arg8 : memref<100000xf32, #tpu.memory_space<vmem>>)
          tpu.yield
        }) : () -> ()
      } else {
      }
      %scan3A_32 = arith.constant 0 : i32
      %scan3A_33 = arith.constant 0 : i32
      %scan3A_34 = arith.constant 2 : i32
      %scan3A_35 = arith.addi %scan3A_33, %scan3A_34 : i32
      %scan3A_36 = arith.constant 1 : i32
      scf.for %scan3A_38 = %scan3A_33 to %scan3A_35 step %scan3A_36  : i32 {
        %parallel_loop3A = arith.constant 0 : i32
        %parallel_loop3A_39 = arith.constant 8192 : i32
        %parallel_loop3A_40 = arith.constant 16 : i32
        scf.for %parallel_loop3A_46 = %parallel_loop3A to %parallel_loop3A_39 step %parallel_loop3A_40  : i32 {
          %parallel_loop3A_47 = arith.constant 8192 : i32
          %parallel_loop3A_48 = arith.muli %scan3A_38, %parallel_loop3A_47 : i32
          %parallel_loop3A_49 = arith.addi %parallel_loop3A_48, %parallel_loop3A_46 : i32
          %parallel_loop3A_50 = arith.index_cast %parallel_loop3A_49 : i32 to index
          %parallel_loop3A_51 = tpu.vector_load %arg10[%parallel_loop3A_50] {strides = array<i32>} : memref<16384xi32, #tpu.memory_space<vmem>>, vector<16xi32>,
          %parallel_loop3A_52 = tpu.vector_load_idx %arg8[%parallel_loop3A_51] : memref<100000xf32, #tpu.memory_space<vmem>>[vector<16xi32>], vector<16xf32>,
          %parallel_loop3A_53 = arith.index_cast %parallel_loop3A_46 : i32 to index
          %parallel_loop3A_54 = tpu.vector_load %arg11[%parallel_loop3A_53] {strides = array<i32>} : memref<8192xf32, #tpu.memory_space<vmem>>, vector<16xf32>,
          tpu.vector_store %arg11[%parallel_loop3A_53], %parallel_loop3A_52 {strides = array<i32>} : memref<8192xf32, #tpu.memory_space<vmem>>, vector<16xf32>,
        } {sc.loop_unroll_factor = 16 : i64, sc.parallel_access}
        %mul3A_41 = arith.constant 2 : i32
        %mul3A_42 = arith.muli %mul3A_41, %add3A : i32
        %add3A_43 = arith.addi %mul3A_42, %scan3A_27 : i32
        %mul3A_44 = arith.constant 8192 : i32
        %mul3A_45 = arith.muli %scan3A_38, %mul3A_44 : i32
        "tpu.region"() ({
          %run_scoped3A_46 = tpu.sem_alloc : memref<!tpu.dma_semaphore, #tpu.memory_space<semaphore_mem>>
          %dma_start3A_47 = tpu.memref_slice %arg7[%add3A_43, %mul3A_45] : memref<64x16384xf32, #tpu.memory_space<hbm>> -> memref<1x8192xf32, #tpu.memory_space<hbm>>
          %dma_start3A_48 = tpu.memref_squeeze %dma_start3A_47 : memref<1x8192xf32, #tpu.memory_space<hbm>> -> memref<8192xf32, #tpu.memory_space<hbm>>
          %dma_start3A_49 = tpu.memref_slice %arg7[%add3A_43, %mul3A_45] : memref<64x16384xf32, #tpu.memory_space<hbm>> -> memref<1x8192xf32, #tpu.memory_space<hbm>>
          %dma_start3A_50 = tpu.memref_squeeze %dma_start3A_49 : memref<1x8192xf32, #tpu.memory_space<hbm>> -> memref<8192xf32, #tpu.memory_space<hbm>>
          tpu.enqueue_dma source(%arg11 : memref<8192xf32, #tpu.memory_space<vmem>>) target(%dma_start3A_50 : memref<8192xf32, #tpu.memory_space<hbm>>) target_semaphore(%run_scoped3A_46 : memref<!tpu.dma_semaphore, #tpu.memory_space<semaphore_mem>>)
          %dma_wait3A_51 = tpu.memref_slice %arg7[%add3A_43, %mul3A_45] : memref<64x16384xf32, #tpu.memory_space<hbm>> -> memref<1x8192xf32, #tpu.memory_space<hbm>>
          %dma_wait3A_52 = tpu.memref_squeeze %dma_wait3A_51 : memref<1x8192xf32, #tpu.memory_space<hbm>> -> memref<8192xf32, #tpu.memory_space<hbm>>
          %dma_wait3A_53 = tpu.memref_slice %arg7[%add3A_43, %mul3A_45] : memref<64x16384xf32, #tpu.memory_space<hbm>> -> memref<1x8192xf32, #tpu.memory_space<hbm>>
          %dma_wait3A_54 = tpu.memref_squeeze %dma_wait3A_53 : memref<1x8192xf32, #tpu.memory_space<hbm>> -> memref<8192xf32, #tpu.memory_space<hbm>>
          tpu.wait_dma2 semaphore(%run_scoped3A_46 : memref<!tpu.dma_semaphore, #tpu.memory_space<semaphore_mem>>) src(%arg11 : memref<8192xf32, #tpu.memory_space<vmem>>) dst(%dma_wait3A_54 : memref<8192xf32, #tpu.memory_space<hbm>>)
          tpu.yield
        }) : () -> ()
      }
      %scan3A_37 = arith.constant 2 : i32
    }
    %scan3A_26 = arith.constant 2 : i32
    return
  }
}

module attributes {stable_mosaic.version = 14 : i64} {
  func.func @_tc_body(%arg0: i32, %arg1: memref<32x8192xf32, #tpu.memory_space<vmem>>, %arg2: memref<64x8192xf32, #tpu.memory_space<vmem>>, %arg3: memref<64x96xf32, #tpu.memory_space<vmem>>, %arg4: memref<64x3xf32, #tpu.memory_space<vmem>>, %arg5: memref<64x8192xf32, #tpu.memory_space<vmem>>) attributes {dimension_semantics = [#tpu.dimension_semantics<arbitrary>], iteration_bounds = array<i64: 2>, scalar_prefetch = 0 : i64, scratch_operands = 0 : i64, tpu.core_type = #tpu.core_type<tc>, window_params = [{transform_indices = @transform_0, window_bounds = array<i64: 32, 8192>}, {transform_indices = @transform_1, window_bounds = array<i64: 64, 8192>}, {pipeline_mode = #tpu.pipeline_mode<synchronous>, transform_indices = @transform_2, window_bounds = array<i64: 64, 96>}, {pipeline_mode = #tpu.pipeline_mode<synchronous>, transform_indices = @transform_3, window_bounds = array<i64: 64, 3>}, {transform_indices = @transform_4, window_bounds = array<i64: 64, 8192>}]} {
    %get3A = arith.constant 0 : index
    %get3A_0 = arith.constant 0 : index
    %get3A_1 = vector.load %arg3[%get3A, %get3A_0] : memref<64x96xf32, #tpu.memory_space<vmem>>, vector<64x32xf32>
    %get3A_2 = arith.constant 0 : index
    %get3A_3 = arith.constant 32 : index
    %get3A_4 = vector.load %arg3[%get3A_2, %get3A_3] : memref<64x96xf32, #tpu.memory_space<vmem>>, vector<64x64xf32>
    %get3A_5 = arith.constant 0 : index
    %get3A_6 = arith.constant 0 : index
    %get3A_7 = vector.load %arg1[%get3A_5, %get3A_6] : memref<32x8192xf32, #tpu.memory_space<vmem>>, vector<32x8192xf32>
    %dot_general3A = arith.constant dense<0.000000e+00> : vector<64x8192xf32>
    %dot_general3A_8 = tpu.matmul %get3A_1, %get3A_7, %dot_general3A {dimension_numbers = #tpu.dot_dimension_numbers<[1], [0], [0], [1], [0, 0, 1, 1], [], []>, transpose_lhs_hint = false} : vector<64x32xf32>, vector<32x8192xf32>, vector<64x8192xf32> -> vector<64x8192xf32>
    %get3A_9 = arith.constant 0 : index
    %get3A_10 = arith.constant 0 : index
    %get3A_11 = vector.load %arg2[%get3A_9, %get3A_10] : memref<64x8192xf32, #tpu.memory_space<vmem>>, vector<64x8192xf32>
    %dot_general3A_12 = arith.constant dense<0.000000e+00> : vector<64x8192xf32>
    %dot_general3A_13 = tpu.matmul %get3A_4, %get3A_11, %dot_general3A_12 {dimension_numbers = #tpu.dot_dimension_numbers<[1], [0], [0], [1], [0, 0, 1, 1], [], []>, transpose_lhs_hint = false} : vector<64x64xf32>, vector<64x8192xf32>, vector<64x8192xf32> -> vector<64x8192xf32>
    %add3A = arith.addf %dot_general3A_8, %dot_general3A_13 : vector<64x8192xf32>
    %get3A_14 = arith.constant 0 : index
    %get3A_15 = arith.constant 0 : index
    %get3A_16 = vector.load %arg4[%get3A_14, %get3A_15] : memref<64x3xf32, #tpu.memory_space<vmem>>, vector<64x1xf32>
    %add3A_17 = vector.broadcast %get3A_16 : vector<64x1xf32> to vector<64x8192xf32>
    %add3A_18 = arith.addf %add3A, %add3A_17 : vector<64x8192xf32>
    %reduce_sum3A = arith.constant dense<0.000000e+00> : vector<8192xf32>
    %reduce_sum3A_19 = vector.multi_reduction <add>, %add3A_18, %reduce_sum3A [0] : vector<64x8192xf32> to vector<8192xf32>
    %broadcast_in_dim3A = vector.shape_cast %reduce_sum3A_19 : vector<8192xf32> to vector<1x8192xf32>
    %div3A = arith.constant 6.400000e+01 : f32
    %div3A_20 = vector.broadcast %div3A : f32 to vector<1x8192xf32>
    %div3A_21 = arith.divf %broadcast_in_dim3A, %div3A_20 : vector<1x8192xf32>
    %sub3A = vector.broadcast %div3A_21 : vector<1x8192xf32> to vector<64x8192xf32>
    %sub3A_22 = arith.subf %add3A_18, %sub3A : vector<64x8192xf32>
    %sub3A_23 = vector.broadcast %div3A_21 : vector<1x8192xf32> to vector<64x8192xf32>
    %sub3A_24 = arith.subf %add3A_18, %sub3A_23 : vector<64x8192xf32>
    %mul3A = arith.mulf %sub3A_22, %sub3A_24 : vector<64x8192xf32>
    %reduce_sum3A_25 = arith.constant dense<0.000000e+00> : vector<8192xf32>
    %reduce_sum3A_26 = vector.multi_reduction <add>, %mul3A, %reduce_sum3A_25 [0] : vector<64x8192xf32> to vector<8192xf32>
    %broadcast_in_dim3A_27 = vector.shape_cast %reduce_sum3A_26 : vector<8192xf32> to vector<1x8192xf32>
    %div3A_28 = arith.constant 6.400000e+01 : f32
    %div3A_29 = vector.broadcast %div3A_28 : f32 to vector<1x8192xf32>
    %div3A_30 = arith.divf %broadcast_in_dim3A_27, %div3A_29 : vector<1x8192xf32>
    %sub3A_31 = vector.broadcast %div3A_21 : vector<1x8192xf32> to vector<64x8192xf32>
    %sub3A_32 = arith.subf %add3A_18, %sub3A_31 : vector<64x8192xf32>
    %add3A_33 = arith.constant 9.99999974E-6 : f32
    %add3A_34 = vector.broadcast %add3A_33 : f32 to vector<1x8192xf32>
    %add3A_35 = arith.addf %div3A_30, %add3A_34 : vector<1x8192xf32>
    %rsqrt3A = math.rsqrt %add3A_35 : vector<1x8192xf32>
    %mul3A_36 = vector.broadcast %rsqrt3A : vector<1x8192xf32> to vector<64x8192xf32>
    %mul3A_37 = arith.mulf %sub3A_32, %mul3A_36 : vector<64x8192xf32>
    %get3A_38 = arith.constant 0 : index
    %get3A_39 = arith.constant 1 : index
    %get3A_40 = vector.load %arg4[%get3A_38, %get3A_39] : memref<64x3xf32, #tpu.memory_space<vmem>>, vector<64x1xf32>
    %mul3A_41 = vector.broadcast %get3A_40 : vector<64x1xf32> to vector<64x8192xf32>
    %mul3A_42 = arith.mulf %mul3A_37, %mul3A_41 : vector<64x8192xf32>
    %get3A_43 = arith.constant 0 : index
    %get3A_44 = arith.constant 2 : index
    %get3A_45 = vector.load %arg4[%get3A_43, %get3A_44] : memref<64x3xf32, #tpu.memory_space<vmem>>, vector<64x1xf32>
    %add3A_46 = vector.broadcast %get3A_45 : vector<64x1xf32> to vector<64x8192xf32>
    %add3A_47 = arith.addf %mul3A_42, %add3A_46 : vector<64x8192xf32>
    %swap3A = arith.constant 0 : index
    %swap3A_48 = arith.constant 0 : index
    %swap3A_49 = vector.load %arg5[%swap3A, %swap3A_48] : memref<64x8192xf32, #tpu.memory_space<vmem>>, vector<64x8192xf32>
    tpu.vector_store %arg5[%swap3A, %swap3A_48], %add3A_47 {strides = array<i32>} : memref<64x8192xf32, #tpu.memory_space<vmem>>, vector<64x8192xf32>,
    return
  }
  func.func @transform_0(%arg0: i32) -> (i32, i32) {
    %c0_i32 = arith.constant 0 : i32
    %c0_i32_0 = arith.constant 0 : i32
    return %c0_i32, %arg0 : i32, i32
  }
  func.func @transform_1(%arg0: i32) -> (i32, i32) {
    %c0_i32 = arith.constant 0 : i32
    %c0_i32_0 = arith.constant 0 : i32
    return %c0_i32, %arg0 : i32, i32
  }
  func.func @transform_2(%arg0: i32) -> (i32, i32) {
    %c0_i32 = arith.constant 0 : i32
    %c0_i32_0 = arith.constant 0 : i32
    %c0_i32_1 = arith.constant 0 : i32
    return %c0_i32, %c0_i32_0 : i32, i32
  }
  func.func @transform_3(%arg0: i32) -> (i32, i32) {
    %c0_i32 = arith.constant 0 : i32
    %c0_i32_0 = arith.constant 0 : i32
    %c0_i32_1 = arith.constant 0 : i32
    return %c0_i32, %c0_i32_0 : i32, i32
  }
  func.func @transform_4(%arg0: i32) -> (i32, i32) {
    %c0_i32 = arith.constant 0 : i32
    %c0_i32_0 = arith.constant 0 : i32
    return %c0_i32, %arg0 : i32, i32
  }
}

</mosaic_0001>

<sc_bundles>
// kernel: kernel.4.cloned.1.call-start
scs
__scs_entry_jumppad:
0x0: {  	(pc) =	sbr.rel $0x88, $3  }
0x1: {  	(tag) =	ssettag $0x0;
	lr =	simm.s32 $0x1  }
0x2: {  	[smem:$0x3F99] =	sst lr;
	_ =	strace $0xD0000000  }
0x3: {  	_ = 	snop  }
0x4: {  	_ = 	snop  }
0x5: {  	_ = 	snop  }
0x6: {  	_ = 	snop  }
0x7: {  	_ = 	snop  }
__scs_overlays_trampoline_lowered:
0x8: {  	[smem:$0x3FA8] =	sst s0  }
0x9: {  	[smem:$0x3FA9] =	sst s1  }
0xa: {  	[smem:$0x3FAA] =	sst s2  }
0xb: {  	[smem:$0x3FAB] =	sst s3  }
0xc: {  	[smem:$0x3FAC] =	sst s4  }
0xd: {  	[smem:$0x3FAD] =	sst s5  }
0xe: {  	[smem:$0x3FAE] =	sst s6  }
0xf: {  	[smem:$0x3FAF] =	sst s7  }
0x10: {  	[smem:$0x3FB0] =	sst s8  }
0x11: {  	[smem:$0x3FB1] =	sst s9;
	s0 =	simm.s32 @!p0 $0x0  }
0x12: {  	s1 =	sld [smem:$0x3F97];
	s0 =	simm.s32 @p0 $0x1  }
0x13: {  	[smem:$0x3FB2] =	sst s0;
	s0 =	simm.s32 @!p1 $0x0  }
0x14: {  	s2 =	sld [smem:$0x3F96];
	s0 =	simm.s32 @p1 $0x1  }
0x15: {  	[smem:$0x3FB3] =	sst s0;
	s0 =	simm.s32 @!p2 $0x0  }
0x16: {  	s3 =	sld [smem:$0x3FDB];
	s0 =	simm.s32 @p2 $0x1  }
0x17: {  	s4 =	simm.s32 $0x1BF5;
	[smem:$0x3FB5] =	sst s0  }
0x18: {  	s0 =	sld [smem:$0x3F98];
	_ =	swait.ge [sflag:s4], $0x0  }
0x19: {  	s7 =	sld [smem:$0x3F99]  }
0x1a: {  	s8 =	sadd.s32 $0xFFFFE003, lr  }
0x1b: {  	s9 =	sadd.s32 $0xFFFFFEF7, lr;
	s5 =	simm.s32 $0xFFFFFFFF;
	p2 =	slt.u32 s8, $0xFFFFF086  }
0x1c: {  	p1 =	slt.u32 s9, $0xF7A;
	s5 =	simm.s32 @!p2 $0x0  }
0x1d: {  	s5 =	simm.s32 @p1 $0x1;
	p0 =	seq.s32 s7, s2  }
0x1e: {  	s7 =	smul.u32 @!p0 $0xF7A, s2;
	p2 =	seq.s32 @!p0 s5, $0x0  }
0x1f: {  	s9 =	smul.u32 $0xF7A, s1;
	s8 =	simm.s32 @!p0 $0x1BF5;
	p2 =	por !p2, p0  }
0x20: {  	[sflag:s8] =	ssyncset.s32 @!p0 $0xFFFFF086;
	s6 =	sadd.s32 @!p0 s3, s7;
	s7 =	simm.s32 @!p0 $0x108  }
0x21: {  	s3 =	sadd.s32 s3, s9;
	s6 =	sadd.s32 @!p0 $0x88, s6;
	s7 =	simm.s32 @p2 $0x1082  }
0x22: {  	[simem:s7], [sflag:s8] =	dma.local @!p0 [hbm:s6], $0xF7A  }
0x23: {  	s9 =	sor.u32 $0xD0000000, s2;
	s6 =	simm.s32 $0x108;
	_ =	swait.ge @!p0 [sflag:s8], $0x0  }
0x24: {  	s3 =	sadd.s32 $0x88, s3;
	s6 =	simm.s32 @!p1 $0x1082;
	[sflag:s4] =	ssyncset.s32 $0xFFFFF086  }
0x25: {  	[simem:s6], [sflag:s4] =	dma.local [hbm:s3], $0xF7A  }
0x26: {  	[smem:$0x3F99] =	sst s1;
	(tag) =	ssettag s2;
	_ =	strace s9  }
0x27: {  	s1 =	sld [smem:$0x3FA9]  }
0x28: {  	s2 =	sld [smem:$0x3FAA]  }
0x29: {  	s4 =	sld [smem:$0x3FAC]  }
0x2a: {  	p0 =	seq.s32 s5, $0x0;
	s5 =	sld [smem:$0x3FAD]  }
0x2b: {  	s6 =	sld [smem:$0x3FAE]  }
0x2c: {  	s7 =	sld [smem:$0x3FAF]  }
0x2d: {  	s3 =	simm.s32 $0x108;
	s8 =	sld [smem:$0x3FB0]  }
0x2e: {  	s3 =	simm.s32 @!p0 $0x1082;
	s9 =	sld [smem:$0x3FB1]  }
0x2f: {  	lr =	sadd.s32 s0, s3;
	s0 =	sld [smem:$0x3FA8]  }
0x30: {  	s3 =	sld [smem:$0x3FAB]  }
0x31: {  	[smem:$0x3FB4] =	sst s10  }
0x32: {  	s10 =	sld [smem:$0x3FB2];
	_ =	sdelay $0x3  }
0x33: {  	p0 =	seq.s32 s10, $0x1;
	s10 =	sld [smem:$0x3FB4];
	_ =	sdelay $0x3  }
0x34: {  	[smem:$0x3FB4] =	sst s10  }
0x35: {  	s10 =	sld [smem:$0x3FB3];
	_ =	sdelay $0x3  }
0x36: {  	p1 =	seq.s32 s10, $0x1;
	s10 =	sld [smem:$0x3FB4];
	_ =	sdelay $0x3  }
0x37: {  	[smem:$0x3FB4] =	sst s10  }
0x38: {  	s10 =	sld [smem:$0x3FB5]  }
0x39: {  	_ = 	snop;
	(pc) =	sbr.ind lr, $3  }
0x3a: {  	_ = 	snop  }
0x3b: {  	_ = 	snop  }
0x3c: {  	p2 =	seq.s32 s10, $0x1;
	s10 =	sld [smem:$0x3FB4]  }
0x3d: {  	_ =	shalt  }
0x3e: {  	_ =	shalt  }
0x3f: {  	_ =	shalt  }
0x40: {  	_ =	shalt  }
0x41: {  	_ =	shalt  }
0x42: {  	_ =	shalt  }
0x43: {  	_ =	shalt  }
0x44: {  	_ =	shalt  }
0x45: {  	_ =	shalt  }
0x46: {  	_ =	shalt  }
0x47: {  	_ =	shalt  }
0x48: {  	_ =	shalt  }
0x49: {  	_ =	shalt  }
0x4a: {  	_ =	shalt  }
0x4b: {  	_ =	shalt  }
0x4c: {  	_ =	shalt  }
0x4d: {  	_ =	shalt  }
0x4e: {  	_ =	shalt  }
0x4f: {  	_ =	shalt  }
0x50: {  	_ =	shalt  }
0x51: {  	_ =	shalt  }
0x52: {  	_ =	shalt  }
0x53: {  	_ =	shalt  }
0x54: {  	_ =	shalt  }
0x55: {  	_ =	shalt  }
0x56: {  	_ =	shalt  }
0x57: {  	_ =	shalt  }
0x58: {  	_ =	shalt  }
0x59: {  	_ =	shalt  }
0x5a: {  	_ =	shalt  }
0x5b: {  	_ =	shalt  }
0x5c: {  	_ =	shalt  }
0x5d: {  	_ =	shalt  }
0x5e: {  	_ =	shalt  }
0x5f: {  	_ =	shalt  }
0x60: {  	_ =	shalt  }
0x61: {  	_ =	shalt  }
0x62: {  	_ =	shalt  }
0x63: {  	_ =	shalt  }
0x64: {  	_ =	shalt  }
0x65: {  	_ =	shalt  }
0x66: {  	_ =	shalt  }
0x67: {  	_ =	shalt  }
0x68: {  	_ =	shalt  }
0x69: {  	_ =	shalt  }
0x6a: {  	_ =	shalt  }
0x6b: {  	_ =	shalt  }
0x6c: {  	_ =	shalt  }
0x6d: {  	_ =	shalt  }
0x6e: {  	_ =	shalt  }
0x6f: {  	_ =	shalt  }
0x70: {  	_ =	shalt  }
0x71: {  	_ =	shalt  }
0x72: {  	_ =	shalt  }
0x73: {  	_ =	shalt  }
0x74: {  	_ =	shalt  }
0x75: {  	_ =	shalt  }
0x76: {  	_ =	shalt  }
0x77: {  	_ =	shalt  }
0x78: {  	_ =	shalt  }
0x79: {  	_ =	shalt  }
0x7a: {  	_ =	shalt  }
0x7b: {  	_ =	shalt  }
0x7c: {  	_ =	shalt  }
0x7d: {  	_ =	shalt  }
0x7e: {  	_ =	shalt  }
0x7f: {  	_ =	shalt  }
0x80: {  	_ =	shalt  }
0x81: {  	_ =	shalt  }
0x82: {  	_ =	shalt  }
0x83: {  	_ =	shalt  }
0x84: {  	_ =	shalt  }
0x85: {  	_ =	shalt  }
0x86: {  	_ =	shalt  }
0x87: {  	_ =	shalt  }
.Lfunc_end0:
.L_simem_size_0:
called_computation_lowered:
.L_overlay_start_0:
0x88: {  	s2 =	sld [smem:$0x3FD9]  }
0x89: {  	s3 =	sld [smem:$0x3FFE];
	_ =	sdelay $0x1  }
0x8a: {  	s1 =	srdreg.scid  }
0x8b: {  	s0 =	sand.u32 $0x1, s1  }
0x8c: {  	s17 =	sshll.u32 s0, $0xA;
	s2 =	sadd.s32 s3, s2  }
0x8d: {  	s2 =	sadd.s32 s2, s17  }
0x8e: {  	[smem:$0x3FC0] =	sst s2  }
0x8f: {  	_ = 	snop  }
0x90: {  	s2 =	sld [smem:$0x3FC9]  }
0x91: {  	s18 =	sld [smem:$0x3FC8]  }
0x92: {  	s4 =	sld [smem:$0x3FC7]  }
0x93: {  	s5 =	sld [smem:$0x3FC6]  }
0x94: {  	s6 =	sld [smem:$0x3FD0];
	(tm) =	ssettm $0x1  }
0x95: {  	s7 =	sld [smem:$0x3FFB];
	_ =	sdelay $0x3  }
0x96: {  	_ =	strace s7  }
0x97: {  	s7 =	sld [smem:$0x3FFC];
	_ =	sdelay $0x3  }
0x98: {  	_ =	strace s7  }
0x99: {  	s7 =	sld [smem:$0x3FFD];
	_ =	sdelay $0x3  }
0x9a: {  	_ =	strace s7  }
0x9b: {  	_ =	strace $0x8FFFFFFF  }
0x9c: {  	s19 =	sld [smem:$0x3FDB];
	_ =	sdelay $0x1  }
0x9d: {  	s8 =	simm.s32 $_scs_section_size  }
0x9e: {  	s9 =	simm.s32 $_size__tile_overlayer_lowered;
	s10 =	simm.s32 $_tile_overlayer_lowered  }
0x9f: {  	s22 =	simm.s32 $0x1BFF;
	s21 =	sshll.u32 s10, $0x1;
	s7 =	sadd.s32 s8, s19  }
0xa0: {  	s11 =	simm.s32 $0x0;
	s20 =	sshll.u32 s9, $0x1;
	s9 =	sadd.s32 s21, s7  }
0xa1: {  	[timem:s11], [sflag:s22] =	dma.local [hbm:s9], s20  }
0xa2: {  	_ =	swait.ge [sflag:s22], s20  }
0xa3: {  	s8 =	ssub.s32 $0x0, s20;
	[sflag:s22] =	ssyncset.done $0x0  }
0xa4: {  	[sflag:s22] =	ssyncadd.s32 s8;
	_ =	sdelay $0x1  }
0xa5: {  	s23 =	simm.s32 $0x1B8B  }
0xa6: {  	_ =	swait.ge [sflag:s23], $0x1  }
0xa7: {  	[sflag:s23] =	ssyncset.done $0x0  }
0xa8: {  	s25 =	simm.s32 $0x1B8E;
	s24 =	sld [smem:$0x3FFE];
	[sflag:s23] =	ssyncadd.s32 $0xFFFFFFFF  }
0xa9: {  	s26 =	simm.s32 $execute0_lowered;
	[smem:$0x3FD2] =	sst s25  }
0xaa: {  	s9 =	sshll.u32 s26, $0x1;
	_ =	strace $0x80000046;
	[dreg:$0x1] =	wrdreg $0xFFFFFFFF  }
0xab: {  	s28 =	simm.s32 $_size_execute0_lowered;
	s7 =	sadd.s32 s7, s9;
	[dreg:$0x0] =	wrdreg $0x0  }
0xac: {  	s9 =	sshll.u32 s28, $0x1;
	[dreg:$0x2] =	wrdreg s7  }
0xad: {  	[dreg:$0x3] =	wrdreg s9  }
0xae: {  	[dreg:$0x4] =	wrdreg $0xC0  }
0xaf: {  	_ =	task [dreg:s11], $0x5FFFF  }
0xb0: {  	[dreg:$0x1] =	wrdreg $0xFFFFFFFF  }
0xb1: {  	[dreg:$0x0] =	wrdreg $0x60  }
0xb2: {  	[dreg:$0x2] =	wrdreg s2  }
0xb3: {  	[dreg:$0x3] =	wrdreg s18  }
0xb4: {  	[dreg:$0x4] =	wrdreg s4  }
0xb5: {  	[dreg:$0x5] =	wrdreg s5  }
0xb6: {  	[dreg:$0x6] =	wrdreg s24  }
0xb7: {  	[dreg:$0x7] =	wrdreg s6  }
0xb8: {  	[dreg:$0x8] =	wrdreg $0x1EB000  }
0xb9: {  	[dreg:$0x9] =	wrdreg $0x9  }
0xba: {  	_ =	task.clear_ibuf [dreg:s11], $0xAFFFF;
	_ =	strace $0x90000046  }
0xbb: {  	s29 =	simm.s32 $0x9;
	_ =	strace $0x80000048  }
0xbc: {  	_ =	swait.ge [sflag:s29], $0x1  }
0xbd: {  	[sflag:s29] =	ssyncadd.s32 $0xFFFFFFFF  }
0xbe: {  	_ =	strace $0x90000048  }
0xbf: {  	_ =	sfence  }
0xc0: {  	s30 =	sld [smem:$0x0];
	_ =	sdelay $0x2  }
0xc1: {  	s31 =	sshll.u32 s1, $0xD;
	s1 =	sshrl.u32 s1, $0x2  }
0xc2: {  	s3 =	sand.u32 $0x4000, s31;
	s1 =	sadd.s32 s1, s30  }
0xc3: {  	s0 =	sor.u32 s3, s0;
	s1 =	sshll.u32 s1, $0x11  }
0xc4: {  	s0 =	sor.u32 s1, s0  }
0xc5: {  	s0 =	sadd.s32 $0x8F2B, s0  }
0xc6: {  	[sflag:s0] =	ssyncadd.remote.s32 $0x1  }
0xc7: {  	_ =	sfence.sel $0xFFFF  }
0xc8: {  	[dreg:$0x0] =	wrdreg $0xFFFFFFFF;
	(pc) =	sbr.abs _section_cstart, $3  }
0xc9: {  	[dreg:$0x1] =	wrdreg $0xFFFFFFFF  }
0xca: {  	_ =	task.clear_ibuf [dreg:s11], $0x2FFFF;
	_ =	strace $0x9FFFFFFF  }
0xcb: {  	(tm) =	ssettm $0x7FFFFFFF  }
tec
execute0_lowered:
.L_overlay_start_1:
0x0: {  	(tag) =	ssettag $0x1  }
0x1: {  	s0 =	rddreg [dreg:$0x0]  }
0x2: {  	s1 =	rddreg [dreg:$0x1]  }
0x3: {  	s8 =	rddreg [dreg:$0x2]  }
0x4: {  	s7 =	rddreg [dreg:$0x3]  }
0x5: {  	s5 =	rddreg [dreg:$0x4]  }
0x6: {  	s13 =	rddreg [dreg:$0x5]  }
0x7: {  	s3 =	rddreg [dreg:$0x6]  }
0x8: {  	s2 =	rddreg [dreg:$0x7];
	s4 =	simm.s32 $0x0  }
0x9: {  	s6 =	srdreg.scid;
	s15 =	stileid.u32;
	s17 =	simm.s32 $0x18700  }
0xa: {  	s18 =	simm.s32 $0x2;
	s21 =	simm.s32 $0x100;
	s22 =	simm.s32 $0x18B00  }
0xb: {  	s23 =	simm.s32 $0x1CB00;
	s24 =	simm.s32 $0x1;
	[smem:$0x7FF] =	sst s4  }
0xc: {  	s6 =	sand.u32 $0x1, s6;
	s9 =	sshll.u32 s15, $0x1;
	s5 =	sadd.s32 $0x1400, s5  }
0xd: {  	s25 =	sshrl.u32 s15, $0x1;
	s12 =	sshrl.u32 s15, $0x2;
	p0 =	sne.s32 s15, $0x0  }
0xe: {  	_ =	strace $0x80000047;
	s10 =	sor.u32 s6, s9;
	s11 =	ssub.s32 $0x2, s6  }
0xf: {  	s26 =	smul.u32 $0xC3800, s25;
	s29 =	sshll.u32 s12, $0xD;
	s19 =	sshrl.u32 @!p0 s3, $0x3  }
0x10: {  	s25 =	simm.s32 $0x0;
	s28 =	sshll.u32 s10, $0x8;
	s14 =	sshll.u32 s10, $0x7  }
0x11: {  	s16 =	sshrl.u32 s11, $0x1;
	s31 =	sshll.u32 s10, $0x5;
	s10 =	sshll.u32 s12, $0x11  }
0x12: {  	s12 =	sand.u32 $0xE, s15;
	s9 =	sand.u32 $0x300, s28;
	s6 =	sand.u32 $0x380, s14  }
0x13: {  	s15 =	simm.s32 $0x80;
	s9 =	sor.u32 s26, s9;
	s14 =	sor.u32 s29, s6  }
0x14: {  	s16 =	ssub.s32 s11, s16;
	s9 =	sshrl.u32 s9, $0x3;
	s30 =	sshrl.u32 s14, $0x3  }
0x15: {  	s14 =	sand.u32 $0x60, s31;
	s7 =	sadd.s32 s7, s9;
	s8 =	sadd.s32 s8, s30  }
0x16: {  	s9 =	sadd.s32 $0x80, s3;
	s13 =	sadd.s32 s13, s14;
	s14 =	smax.u32 s16, $0x1  }
0x17: {  	s16 =	simm.s32 $0x400;
	s11 =	sadd.s32 $0x10, s7;
	s20 =	sshrl.u32 @!p0 s9, $0x3  }
.LBB2_1:
0x18: {  	[tilespmem:s4], [sflag:$0x1] =	stream.strided.gather [hbm4b:s7+s15], $0x18700, s16, s15, $0x38;
	[tilespmem:$0x1F300] =	vst v63  }
0x19: {  	_ = 	snop  }
0x1a: {  	[tilespmem:s17], [sflag:$0x2] =	stream.strided.gather [hbm4b:s8+s15], $0x400, s16, s15, $0x38;
	[tilespmem:$0x1F300] =	vst v63  }
0x1b: {  	s26 =	simm.s32 @!p0 $0x1;
	_ =	swait.ge [sflag:s18], $0x400  }
0x1c: {  	s28 =	simm.s32 @!p0 $0x20;
	s29 =	simm.s32 @!p0 $0x10;
	[sflag:s18] =	ssyncset.done $0x0  }
0x1d: {  	s30 =	simm.s32 @!p0 $0x1C02;
	s31 =	simm.s32 @!p0 $0x2;
	[sflag:s18] =	ssyncadd.s32 $0xFFFFFC00  }
0x1e: {  	[spmem:s19@s28], [sflag:s30] =	dma.strided @!p0 [hbm:s0@s29], $0x800, s26, $0x10   }
0x1f: {  	_ =	swait.ge @!p0 [sflag:s31], $0x800  }
0x20: {  	[sflag:s31] =	ssyncset.done @!p0 $0x0  }
0x21: {  	[sflag:s31] =	ssyncadd.s32 @!p0 $0xFFFFF800  }
0x22: {  	[spmem:s20@s28], [sflag:s30] =	dma.strided @!p0 [hbm:s1@s29], $0x800, s26, $0x10   }
0x23: {  	_ =	swait.ge @!p0 [sflag:s31], $0x800  }
0x24: {  	[sflag:s31] =	ssyncset.done @!p0 $0x0  }
0x25: {  	[sflag:s31] =	ssyncadd.s32 @!p0 $0xFFFFF800  }
0x26: {  	[bflag:$0x0] =	sbarrier.arrive $0xFFFF  }
0x27: {  	[tilespmem:s22], [sflag:$0x2] =	stream.strided.gather [spmem:s3], $0x4000, s21, s15, $0x38;
	[tilespmem:$0x1F300] =	vst v63  }
0x28: {  	_ =	swait.ge [sflag:s18], $0x4000  }
0x29: {  	[sflag:s18] =	ssyncset.done $0x0  }
0x2a: {  	p2 =	por $0x1, $0x1;
	s26 =	simm.s32 $0x0;
	[sflag:s18] =	ssyncadd.s32 $0xFFFFC000  }
.LBB2_2:
0x2b: {  	s28 =	sshll.u32 s26, $0xD  }
0x2c: {  	s28 =	sand.u32 $0x3FFFE000, s28  }
0x2d: {  	s30 =	sadd.s32 $0x18B80, s28  }
0x2e: {  	v0 =	vld [tilespmem:s30+$0x70]  }
0x2f: {  	v1 =	vld [tilespmem:s30+$0xFFFFFF90]  }
0x30: {  	v2 =	vld [tilespmem:s30+$0xFFFFFFA0]  }
0x31: {  	v3 =	vld [tilespmem:s30+$0xFFFFFFB0]  }
0x32: {  	v4 =	vld [tilespmem:s30+$0xFFFFFFC0]  }
0x33: {  	v5 =	vld [tilespmem:s30+$0xFFFFFFD0]  }
0x34: {  	v6 =	vld [tilespmem:s30+$0xFFFFFFE0]  }
0x35: {  	v7 =	vld [tilespmem:s30+$0xFFFFFFF0]  }
0x36: {  	v8 =	vld [tilespmem:s30+$0x0]  }
0x37: {  	v9 =	vld [tilespmem:s30+$0x10]  }
0x38: {  	v10 =	vld [tilespmem:s30+$0x20]  }
0x39: {  	v11 =	vld [tilespmem:s30+$0x30]  }
0x3a: {  	v12 =	vld [tilespmem:s30+$0x40]  }
0x3b: {  	v13 =	vld [tilespmem:s30+$0x50]  }
0x3c: {  	v14 =	vld [tilespmem:s30+$0x60]  }
0x3d: {  	v15 =	vld [tilespmem:s30+$0xFFFFFF80]  }
0x3e: {  	v0 =	vld.idx.msk [tilespmem:v0+s17+$0x0], $0xffff  }
0x3f: {  	v1 =	vld.idx.msk [tilespmem:v1+s17+$0x0], $0xffff  }
0x40: {  	v2 =	vld.idx.msk [tilespmem:v2+s17+$0x0], $0xffff  }
0x41: {  	v3 =	vld.idx.msk [tilespmem:v3+s17+$0x0], $0xffff  }
0x42: {  	v4 =	vld.idx.msk [tilespmem:v4+s17+$0x0], $0xffff  }
0x43: {  	s28 =	simm.s32 $0x1CB80;
	v5 =	vld.idx.msk [tilespmem:v5+s17+$0x0], $0xffff  }
0x44: {  	v6 =	vld.idx.msk [tilespmem:v6+s17+$0x0], $0xffff;
	[tilespmem:s28+$0x70] =	vst v0  }
0x45: {  	v7 =	vld.idx.msk [tilespmem:v7+s17+$0x0], $0xffff;
	[tilespmem:s28+$0xFFFFFF90] =	vst v1  }
0x46: {  	v15 =	vld.idx.msk [tilespmem:v15+s17+$0x0], $0xffff;
	[tilespmem:s28+$0xFFFFFFA0] =	vst v2  }
0x47: {  	v8 =	vld.idx.msk [tilespmem:v8+s17+$0x0], $0xffff;
	[tilespmem:s28+$0xFFFFFFB0] =	vst v3  }
0x48: {  	[tilespmem:s28+$0xFFFFFFC0] =	vst v4;
	v0 =	vld.idx.msk [tilespmem:v9+s17+$0x0], $0xffff  }
0x49: {  	[tilespmem:s28+$0xFFFFFFD0] =	vst v5;
	v1 =	vld.idx.msk [tilespmem:v10+s17+$0x0], $0xffff  }
0x4a: {  	[tilespmem:s28+$0xFFFFFFE0] =	vst v6;
	v2 =	vld.idx.msk [tilespmem:v11+s17+$0x0], $0xffff  }
0x4b: {  	[tilespmem:s28+$0xFFFFFFF0] =	vst v7;
	v3 =	vld.idx.msk [tilespmem:v12+s17+$0x0], $0xffff  }
0x4c: {  	[tilespmem:s28+$0xFFFFFF80] =	vst v15;
	v4 =	vld.idx.msk [tilespmem:v13+s17+$0x0], $0xffff  }
0x4d: {  	p1 =	por p2, p2;
	s29 =	simm.s32 $0x0;
	s30 =	sadd.s32 $0x100, s30;
	[tilespmem:s28+$0x0] =	vst v8;
	v5 =	vld.idx.msk [tilespmem:v14+s17+$0x0], $0xffff  }
.LBB2_3:
0x4e: {  	v6 =	vld [tilespmem:s30+$0x70];
	s29 =	sadd.s32 $0x100, s29;
	[tilespmem:s28+$0x10] =	vst v0  }
0x4f: {  	v0 =	vld [tilespmem:s30+$0xFFFFFF90];
	p2 =	slt.u32 s29, $0x1F00;
	[tilespmem:s28+$0x20] =	vst v1  }
0x50: {  	v1 =	vld [tilespmem:s30+$0xFFFFFFA0];
	[tilespmem:s28+$0x30] =	vst v2  }
0x51: {  	v2 =	vld [tilespmem:s30+$0xFFFFFFB0];
	[tilespmem:s28+$0x40] =	vst v3  }
0x52: {  	v3 =	vld [tilespmem:s30+$0xFFFFFFC0];
	[tilespmem:s28+$0x50] =	vst v4  }
0x53: {  	v4 =	vld [tilespmem:s30+$0xFFFFFFD0];
	[tilespmem:s28+$0x60] =	vst v5  }
0x54: {  	v5 =	vld [tilespmem:s30+$0xFFFFFFE0]  }
0x55: {  	v7 =	vld [tilespmem:s30+$0xFFFFFFF0]  }
0x56: {  	v6 =	vld.idx.msk [tilespmem:v6+s17+$0x0], $0xffff  }
0x57: {  	v8 =	vld [tilespmem:s30+$0x0]  }
0x58: {  	v9 =	vld [tilespmem:s30+$0x10]  }
0x59: {  	v10 =	vld [tilespmem:s30+$0x20]  }
0x5a: {  	v11 =	vld [tilespmem:s30+$0x30]  }
0x5b: {  	s28 =	sadd.s32 $0x100, s28;
	v12 =	vld [tilespmem:s30+$0x40]  }
0x5c: {  	v13 =	vld [tilespmem:s30+$0x50];
	[tilespmem:s28+$0x70] =	vst v6  }
0x5d: {  	v6 =	vld [tilespmem:s30+$0x60]  }
0x5e: {  	v14 =	vld [tilespmem:s30+$0xFFFFFF80]  }
0x5f: {  	v0 =	vld.idx.msk [tilespmem:v0+s17+$0x0], $0xffff  }
0x60: {  	v1 =	vld.idx.msk [tilespmem:v1+s17+$0x0], $0xffff  }
0x61: {  	v2 =	vld.idx.msk [tilespmem:v2+s17+$0x0], $0xffff  }
0x62: {  	v3 =	vld.idx.msk [tilespmem:v3+s17+$0x0], $0xffff  }
0x63: {  	v4 =	vld.idx.msk [tilespmem:v4+s17+$0x0], $0xffff  }
0x64: {  	v5 =	vld.idx.msk [tilespmem:v5+s17+$0x0], $0xffff  }
0x65: {  	[tilespmem:s28+$0xFFFFFF90] =	vst v0;
	v7 =	vld.idx.msk [tilespmem:v7+s17+$0x0], $0xffff  }
0x66: {  	v14 =	vld.idx.msk [tilespmem:v14+s17+$0x0], $0xffff;
	[tilespmem:s28+$0xFFFFFFA0] =	vst v1  }
0x67: {  	[tilespmem:s28+$0xFFFFFFB0] =	vst v2;
	v8 =	vld.idx.msk [tilespmem:v8+s17+$0x0], $0xffff  }
0x68: {  	[tilespmem:s28+$0xFFFFFFC0] =	vst v3;
	v0 =	vld.idx.msk [tilespmem:v9+s17+$0x0], $0xffff  }
.Ltmp0:
0x69: {  	[tilespmem:s28+$0xFFFFFFD0] =	vst v4;
	v1 =	vld.idx.msk [tilespmem:v10+s17+$0x0], $0xffff;
	(pc) =	sbr.rel @p2 .LBB2_3-.Ltmp0, $4  }
0x6a: {  	[tilespmem:s28+$0xFFFFFFE0] =	vst v5;
	v2 =	vld.idx.msk [tilespmem:v11+s17+$0x0], $0xffff  }
0x6b: {  	[tilespmem:s28+$0xFFFFFFF0] =	vst v7;
	v3 =	vld.idx.msk [tilespmem:v12+s17+$0x0], $0xffff  }
0x6c: {  	[tilespmem:s28+$0xFFFFFF80] =	vst v14;
	v4 =	vld.idx.msk [tilespmem:v13+s17+$0x0], $0xffff  }
0x6d: {  	s30 =	sadd.s32 $0x100, s30;
	[tilespmem:s28+$0x0] =	vst v8;
	v5 =	vld.idx.msk [tilespmem:v6+s17+$0x0], $0xffff  }
0x6e: {  	[tilespmem:s28+$0x10] =	vst v0  }
0x6f: {  	[tilespmem:s28+$0x20] =	vst v1;
	s26 =	sshll.u32 s26, $0x10  }
0x70: {  	[tilespmem:s28+$0x30] =	vst v2;
	s26 =	sor.u32 s26, s10  }
0x71: {  	[tilespmem:s28+$0x40] =	vst v3;
	s26 =	sor.u32 s6, s26  }
0x72: {  	[tilespmem:s28+$0x50] =	vst v4;
	s26 =	sshrl.u32 s26, $0x3  }
.Ltmp1:
0x73: {  	[tilespmem:s28+$0x60] =	vst v5;
	s26 =	sadd.s32 s5, s26;
	(pc) =	sbr.rel @p1 .LBB2_2-.Ltmp1, $4  }
0x74: {  	[hbm4b:s26+s15] =	stream.strided.scatter [tilespmem:s23], [sflag:$0x2], $0x2000, s16, s15, $0x38;
	[tilespmem:$0x1F300] =	vst v63  }
0x75: {  	_ =	swait.ge [sflag:s18], $0x2000  }
0x76: {  	[sflag:s18] =	ssyncset.done $0x0  }
0x77: {  	p2 =	por $0x0, $0x0;
	s26 =	simm.s32 $0x1;
	[sflag:s18] =	ssyncadd.s32 $0xFFFFE000  }
0x78: {  	[tilespmem:s22], [sflag:$0x2] =	stream.strided.gather [spmem:s9], $0x4000, s21, s15, $0x38;
	[tilespmem:$0x1F300] =	vst v63  }
0x79: {  	_ =	swait.ge [sflag:s18], $0x4000  }
0x7a: {  	[sflag:s18] =	ssyncset.done $0x0  }
0x7b: {  	[sflag:s18] =	ssyncadd.s32 $0xFFFFC000  }
0x7c: {  	_ =	swait.ge [sflag:s24], $0x18700  }
0x7d: {  	s26 =	simm.s32 $0x0;
	[sflag:s24] =	ssyncset.done $0x0  }
0x7e: {  	p2 =	por $0x1, $0x1;
	p3 =	por $0x0, $0x0;
	[sflag:s24] =	ssyncadd.s32 $0xFFFE7900  }
.LBB2_6:
0x7f: {  	s28 =	simm.s32 @p3 $0x80;
	s29 =	simm.s32 @p3 $0x400;
	s30 =	simm.s32 @p3 $0x0  }
0x80: {  	[tilespmem:s30], [sflag:$0x2] =	stream.strided.gather @p3 [hbm4b:s11+s28], $0x18700, s29, s28, $0x38;
	[tilespmem:$0x1F300] =	vst v63  }
0x81: {  	s28 =	simm.s32 @p3 $0x2  }
0x82: {  	_ =	swait.ge @p3 [sflag:s28], $0x18700  }
0x83: {  	p1 =	por p2, p2;
	s26 =	sadd.s32 s26, s13;
	[sflag:s28] =	ssyncset.done @p3 $0x0  }
0x84: {  	[sflag:s28] =	ssyncadd.s32 @p3 $0xFFFE7900;
	p3 =	por $0x1, $0x1;
	s28 =	simm.s32 $0x0  }
.LBB2_7:
0x85: {  	s29 =	sshll.u32 s28, $0xD  }
0x86: {  	s29 =	sand.u32 $0x3FFFE000, s29  }
0x87: {  	s31 =	sadd.s32 $0x18B80, s29  }
0x88: {  	v0 =	vld [tilespmem:s31+$0x70]  }
0x89: {  	v1 =	vld [tilespmem:s31+$0xFFFFFF90]  }
0x8a: {  	v2 =	vld [tilespmem:s31+$0xFFFFFFA0]  }
0x8b: {  	v3 =	vld [tilespmem:s31+$0xFFFFFFB0]  }
0x8c: {  	v4 =	vld [tilespmem:s31+$0xFFFFFFC0]  }
0x8d: {  	v5 =	vld [tilespmem:s31+$0xFFFFFFD0]  }
0x8e: {  	v6 =	vld [tilespmem:s31+$0xFFFFFFE0]  }
0x8f: {  	v7 =	vld [tilespmem:s31+$0xFFFFFFF0]  }
0x90: {  	v8 =	vld [tilespmem:s31+$0x0]  }
0x91: {  	v9 =	vld [tilespmem:s31+$0x10]  }
0x92: {  	v10 =	vld [tilespmem:s31+$0x20]  }
0x93: {  	v11 =	vld [tilespmem:s31+$0x30]  }
0x94: {  	v12 =	vld [tilespmem:s31+$0x40]  }
0x95: {  	v13 =	vld [tilespmem:s31+$0x50]  }
0x96: {  	v14 =	vld [tilespmem:s31+$0x60]  }
0x97: {  	v15 =	vld [tilespmem:s31+$0xFFFFFF80]  }
0x98: {  	v0 =	vld.idx.msk [tilespmem:v0+s4+$0x0], $0xffff  }
0x99: {  	v1 =	vld.idx.msk [tilespmem:v1+s4+$0x0], $0xffff  }
0x9a: {  	v2 =	vld.idx.msk [tilespmem:v2+s4+$0x0], $0xffff  }
0x9b: {  	v3 =	vld.idx.msk [tilespmem:v3+s4+$0x0], $0xffff  }
0x9c: {  	v4 =	vld.idx.msk [tilespmem:v4+s4+$0x0], $0xffff  }
0x9d: {  	s29 =	simm.s32 $0x1CB80;
	v5 =	vld.idx.msk [tilespmem:v5+s4+$0x0], $0xffff  }
0x9e: {  	v6 =	vld.idx.msk [tilespmem:v6+s4+$0x0], $0xffff;
	[tilespmem:s29+$0x70] =	vst v0  }
0x9f: {  	v7 =	vld.idx.msk [tilespmem:v7+s4+$0x0], $0xffff;
	[tilespmem:s29+$0xFFFFFF90] =	vst v1  }
0xa0: {  	v15 =	vld.idx.msk [tilespmem:v15+s4+$0x0], $0xffff;
	[tilespmem:s29+$0xFFFFFFA0] =	vst v2  }
0xa1: {  	v8 =	vld.idx.msk [tilespmem:v8+s4+$0x0], $0xffff;
	[tilespmem:s29+$0xFFFFFFB0] =	vst v3  }
0xa2: {  	[tilespmem:s29+$0xFFFFFFC0] =	vst v4;
	v0 =	vld.idx.msk [tilespmem:v9+s4+$0x0], $0xffff  }
0xa3: {  	[tilespmem:s29+$0xFFFFFFD0] =	vst v5;
	v1 =	vld.idx.msk [tilespmem:v10+s4+$0x0], $0xffff  }
0xa4: {  	[tilespmem:s29+$0xFFFFFFE0] =	vst v6;
	v2 =	vld.idx.msk [tilespmem:v11+s4+$0x0], $0xffff  }
0xa5: {  	[tilespmem:s29+$0xFFFFFFF0] =	vst v7;
	v3 =	vld.idx.msk [tilespmem:v12+s4+$0x0], $0xffff  }
0xa6: {  	[tilespmem:s29+$0xFFFFFF80] =	vst v15;
	v4 =	vld.idx.msk [tilespmem:v13+s4+$0x0], $0xffff  }
0xa7: {  	p2 =	por p3, p3;
	s30 =	simm.s32 $0x0;
	s31 =	sadd.s32 $0x100, s31;
	[tilespmem:s29+$0x0] =	vst v8;
	v5 =	vld.idx.msk [tilespmem:v14+s4+$0x0], $0xffff  }
.LBB2_8:
0xa8: {  	v6 =	vld [tilespmem:s31+$0x70];
	s30 =	sadd.s32 $0x100, s30;
	[tilespmem:s29+$0x10] =	vst v0  }
0xa9: {  	v0 =	vld [tilespmem:s31+$0xFFFFFF90];
	p3 =	slt.u32 s30, $0x1F00;
	[tilespmem:s29+$0x20] =	vst v1  }
0xaa: {  	v1 =	vld [tilespmem:s31+$0xFFFFFFA0];
	[tilespmem:s29+$0x30] =	vst v2  }
0xab: {  	v2 =	vld [tilespmem:s31+$0xFFFFFFB0];
	[tilespmem:s29+$0x40] =	vst v3  }
0xac: {  	v3 =	vld [tilespmem:s31+$0xFFFFFFC0];
	[tilespmem:s29+$0x50] =	vst v4  }
0xad: {  	v4 =	vld [tilespmem:s31+$0xFFFFFFD0];
	[tilespmem:s29+$0x60] =	vst v5  }
0xae: {  	v5 =	vld [tilespmem:s31+$0xFFFFFFE0]  }
0xaf: {  	v7 =	vld [tilespmem:s31+$0xFFFFFFF0]  }
0xb0: {  	v6 =	vld.idx.msk [tilespmem:v6+s4+$0x0], $0xffff  }
0xb1: {  	v8 =	vld [tilespmem:s31+$0x0]  }
0xb2: {  	v9 =	vld [tilespmem:s31+$0x10]  }
0xb3: {  	v10 =	vld [tilespmem:s31+$0x20]  }
0xb4: {  	v11 =	vld [tilespmem:s31+$0x30]  }
0xb5: {  	s29 =	sadd.s32 $0x100, s29;
	v12 =	vld [tilespmem:s31+$0x40]  }
0xb6: {  	v13 =	vld [tilespmem:s31+$0x50];
	[tilespmem:s29+$0x70] =	vst v6  }
0xb7: {  	v6 =	vld [tilespmem:s31+$0x60]  }
0xb8: {  	v14 =	vld [tilespmem:s31+$0xFFFFFF80]  }
0xb9: {  	v0 =	vld.idx.msk [tilespmem:v0+s4+$0x0], $0xffff  }
0xba: {  	v1 =	vld.idx.msk [tilespmem:v1+s4+$0x0], $0xffff  }
0xbb: {  	v2 =	vld.idx.msk [tilespmem:v2+s4+$0x0], $0xffff  }
0xbc: {  	v3 =	vld.idx.msk [tilespmem:v3+s4+$0x0], $0xffff  }
0xbd: {  	v4 =	vld.idx.msk [tilespmem:v4+s4+$0x0], $0xffff  }
0xbe: {  	v5 =	vld.idx.msk [tilespmem:v5+s4+$0x0], $0xffff  }
0xbf: {  	[tilespmem:s29+$0xFFFFFF90] =	vst v0;
	v7 =	vld.idx.msk [tilespmem:v7+s4+$0x0], $0xffff  }
0xc0: {  	v14 =	vld.idx.msk [tilespmem:v14+s4+$0x0], $0xffff;
	[tilespmem:s29+$0xFFFFFFA0] =	vst v1  }
0xc1: {  	[tilespmem:s29+$0xFFFFFFB0] =	vst v2;
	v8 =	vld.idx.msk [tilespmem:v8+s4+$0x0], $0xffff  }
0xc2: {  	[tilespmem:s29+$0xFFFFFFC0] =	vst v3;
	v0 =	vld.idx.msk [tilespmem:v9+s4+$0x0], $0xffff  }
.Ltmp2:
0xc3: {  	[tilespmem:s29+$0xFFFFFFD0] =	vst v4;
	v1 =	vld.idx.msk [tilespmem:v10+s4+$0x0], $0xffff;
	(pc) =	sbr.rel @p3 .LBB2_8-.Ltmp2, $4  }
0xc4: {  	[tilespmem:s29+$0xFFFFFFE0] =	vst v5;
	v2 =	vld.idx.msk [tilespmem:v11+s4+$0x0], $0xffff  }
0xc5: {  	[tilespmem:s29+$0xFFFFFFF0] =	vst v7;
	v3 =	vld.idx.msk [tilespmem:v12+s4+$0x0], $0xffff  }
0xc6: {  	[tilespmem:s29+$0xFFFFFF80] =	vst v14;
	v4 =	vld.idx.msk [tilespmem:v13+s4+$0x0], $0xffff  }
0xc7: {  	s31 =	sadd.s32 $0x100, s31;
	[tilespmem:s29+$0x0] =	vst v8;
	v5 =	vld.idx.msk [tilespmem:v6+s4+$0x0], $0xffff  }
0xc8: {  	[tilespmem:s29+$0x10] =	vst v0  }
0xc9: {  	[tilespmem:s29+$0x20] =	vst v1  }
0xca: {  	[tilespmem:s29+$0x30] =	vst v2  }
0xcb: {  	s28 =	sor.u32 s12, s28;
	[tilespmem:s29+$0x40] =	vst v3  }
0xcc: {  	s28 =	sshll.u32 s28, $0xD;
	[tilespmem:s29+$0x50] =	vst v4  }
.Ltmp3:
0xcd: {  	s28 =	sadd.s32 s28, s26;
	[tilespmem:s29+$0x60] =	vst v5;
	(pc) =	sbr.rel @p2 .LBB2_7-.Ltmp3, $4  }
0xce: {  	[hbm4b:s28+s15] =	stream.strided.scatter [tilespmem:s23], [sflag:$0x2], $0x2000, s16, s15, $0x38;
	[tilespmem:$0x1F300] =	vst v63  }
0xcf: {  	_ =	swait.ge [sflag:s18], $0x2000  }
0xd0: {  	[sflag:s18] =	ssyncset.done $0x0  }
0xd1: {  	p3 =	por $0x0, $0x0;
	s28 =	simm.s32 $0x1;
	[sflag:s18] =	ssyncadd.s32 $0xFFFFE000  }
.Ltmp4:
0xd2: {  	(pc) =	sbr.rel @p1 .LBB2_6-.Ltmp4, $2  }
0xd3: {  	_ =	sdelay $0x2  }
0xd4: {  	s26 =	simm.s32 $0x10;
	p2 =	por $0x0, $0x0;
	p3 =	por $0x1, $0x1  }
0xd5: {  	s25 =	sadd.s32 $0x1, s25  }
0xd6: {  	p1 =	sne.s32 s25, s14  }
.Ltmp5:
0xd7: {  	_ = 	snop;
	(pc) =	sbr.rel @p1 .LBB2_1-.Ltmp5, $1  }
0xd8: {  	_ =	sdelay $0x3  }
0xd9: {  	_ =	sfence.sel $0x180000  }
0xda: {  	[bflag:$0x0] =	sbarrier.arrive $0xFFFF  }
0xdb: {  	_ =	strace $0x90000047  }
0xdc: {  	s0 =	sadd.s32 @!p0 $0x100000, s2;
	[bflag:$0x2] =	sbarrier.arrive $0xFFFF  }
0xdd: {  	[sflag:s0] =	ssyncadd.tile.s32 @!p0 $0x1;
	_ =	shalt  }
.Lfunc_end2:
_tile_overlayer_lowered:
.L_overlay_start_2:
0xde: {  	(tag) =	ssettag $0x2  }
0xdf: {  	s0 =	rddreg [dreg:$0x0];
	s2 =	stileid.u32  }
0xe0: {  	s1 =	rddreg [dreg:$0x1];
	p0 =	sne.s32 s2, $0x0  }
0xe1: {  	s3 =	rddreg [dreg:$0x2];
	[bflag:$0x3] =	sbarrier.arrive $0xFFFF;
	s2 =	simm.s32 @!p0 $0x1C02  }
0xe2: {  	[timem:s3], [sflag:s2] =	dma.local @!p0 [hbm:s0], s1  }
0xe3: {  	s0 =	simm.s32 @!p0 $0x2  }
0xe4: {  	_ =	swait.ge @!p0 [sflag:s0], s1  }
0xe5: {  	s1 =	ssub.s32 @!p0 $0x0, s1;
	[sflag:s0] =	ssyncset.done @!p0 $0x0  }
0xe6: {  	[sflag:s0] =	ssyncadd.s32 @!p0 s1  }
0xe7: {  	[bflag:$0x3] =	sbarrier.arrive $0xFFFF  }
0xe8: {  	_ =	shalt  }

</sc_bundles>
